<compile_context>
chip_gen: v7x
topology: tpu7x:2x2x1
jax: 0.10.2.dev20260603
libtpu: 0.0.44.dev20260713+nightly
codegen_flags: <defaults>
</compile_context>

<pallas_src>
import functools

import jax
import jax.numpy as jnp
from jax import lax
from jax.experimental import pallas as pl
from jax.experimental.pallas import tpu as pltpu
from jax.experimental.pallas import tpu_sc as plsc

_NC = 2
_NW = 32


def _tc_body(row_ref, col_ref, out_ref):
    r = row_ref.shape[0]
    nf = row_ref.shape[2]
    w = col_ref.shape[0]
    col = col_ref[...]
    row = row_ref[...]
    out_ref[:, :, 0:nf] = jnp.broadcast_to(col[None, :, :], (r, w, nf))
    out_ref[:, :, nf : 2 * nf] = jnp.broadcast_to(row, (r, w, nf))


def _tc_part(row_part, col_embed, r):
    hp, nf = row_part.shape
    w = col_embed.shape[0]
    return pl.pallas_call(
        _tc_body,
        grid=(hp // r,),
        in_specs=[
            pl.BlockSpec((r, 1, nf), lambda i: (i, 0, 0)),
            pl.BlockSpec((w, nf), lambda i: (0, 0)),
        ],
        out_specs=pl.BlockSpec((r, w, 2 * nf), lambda i: (i, 0, 0)),
        out_shape=jax.ShapeDtypeStruct((hp, w, 2 * nf), jnp.float32),
    )(row_part.reshape(hp, 1, nf), col_embed)


def _sc_pos_kernel(h, w, nf, row_hbm, col_hbm, out_hbm, buf0, buf1, row_v, sem0, sem1):
    wid = lax.axis_index("s") * _NC + lax.axis_index("c")

    pltpu.sync_copy(col_hbm, buf0.at[:, pl.ds(0, nf)])
    pltpu.sync_copy(col_hbm, buf1.at[:, pl.ds(0, nf)])

    n_iter = (h + _NW - 1) // _NW
    bufs = (buf0, buf1)
    sems = (sem0, sem1)
    nreg = nf // 16

    for t in range(n_iter):
        i = wid + _NW * t
        buf = bufs[t % 2]
        sem = sems[t % 2]

        @pl.when(i < h)
        def _():
            if t >= 2:
                pltpu.make_async_copy(buf, out_hbm.at[i], sem).wait()
            pltpu.sync_copy(row_hbm.at[pl.ds(i, 1), :], row_v)
            regs = [row_v.at[pl.ds(0, 1), pl.ds(16 * c, 16)][...] for c in range(nreg)]

            @pl.loop(0, w)
            def _(r):
                for c in range(nreg):
                    buf.at[pl.ds(r, 1), pl.ds(nf + 16 * c, 16)][...] = regs[c]

            pltpu.async_copy(buf, out_hbm.at[i], sem)

    for t in range(n_iter):
        i = wid + _NW * t

        @pl.when((i < h) & (i + 2 * _NW >= h))
        def _():
            pltpu.make_async_copy(bufs[t % 2], out_hbm.at[i], sems[t % 2]).wait()


def _sc_part(row_part, col_embed):
    hp, nf = row_part.shape
    w = col_embed.shape[0]
    mesh = plsc.VectorSubcoreMesh(core_axis_name="c", subcore_axis_name="s")
    k = pl.kernel(
        functools.partial(_sc_pos_kernel, hp, w, nf),
        out_type=jax.ShapeDtypeStruct((hp, w, 2 * nf), jnp.float32),
        mesh=mesh,
        scratch_types=[
            pltpu.VMEM((w, 2 * nf), jnp.float32),
            pltpu.VMEM((w, 2 * nf), jnp.float32),
            pltpu.VMEM((1, nf), jnp.float32),
            pltpu.SemaphoreType.DMA,
            pltpu.SemaphoreType.DMA,
        ],
    )
    return k(row_part, col_embed)


def kernel(row_embed, col_embed, bev_h, bev_w):
    h, nf = row_embed.shape
    w, _ = col_embed.shape
    h_tc = 160
    tc = _tc_part(row_embed[:h_tc], col_embed, r=20)
    sc = _sc_part(row_embed[h_tc:], col_embed)
    out = jnp.concatenate([tc, sc], axis=0)
    return out.reshape(1, h * w, 2 * nf)

# --- scband reference (transcript-rebuilt; emitter-appended) ---
"""Pipeline reference for scband-learned-positional-encoding-28467043238163 (READ-ONLY COPY).

The authoritative reference and input builder live on the scoring server;
editing this copy changes nothing except your own understanding.
"""

import jax, jax.numpy as jnp
import numpy as np

NUM_FEATS = 128
ROW_NUM = 200
COL_NUM = 200


def setup_inputs(seed: int = 0) -> dict:
    key = jax.random.key(seed)
    k1, k2 = jax.random.split(key)
    row_embed = jax.random.normal(k1, (ROW_NUM, NUM_FEATS), dtype=jnp.float32)
    col_embed = jax.random.normal(k2, (COL_NUM, NUM_FEATS), dtype=jnp.float32)
    return {
        "row_embed": row_embed,
        "col_embed": col_embed,
        "bev_h": 200,
        "bev_w": 200,
    }


def reference(row_embed, col_embed, bev_h, bev_w):
    num_feats = row_embed.shape[1]
    bev_h_static = row_embed.shape[0]
    bev_w_static = col_embed.shape[0]
    bev_h = jnp.asarray(bev_h, dtype=jnp.int32)
    bev_w = jnp.asarray(bev_w, dtype=jnp.int32)
    row_idx = jnp.arange(bev_h_static) + (bev_h - bev_h)
    col_idx = jnp.arange(bev_w_static) + (bev_w - bev_w)
    # embedding lookups (gathers)
    row_emb = jnp.take(row_embed, row_idx, axis=0)  # (bev_h, num_feats)
    col_emb = jnp.take(col_embed, col_idx, axis=0)  # (bev_w, num_feats)
    pos = jnp.concatenate(
        [
            jnp.broadcast_to(col_emb[None, :, :], (bev_h_static, bev_w_static, num_feats)),
            jnp.broadcast_to(row_emb[:, None, :], (bev_h_static, bev_w_static, num_feats)),
        ],
        axis=-1,
    )
    pos = pos.reshape(1, bev_h_static * bev_w_static, num_feats * 2)
    return pos

if __name__ == "__main__":
    import jax
    _d = setup_inputs()
    print(jax.jit(kernel)(*tuple(_d.values())))

</pallas_src>

<mosaic_0001>
#map = affine_map<(d0, d1) -> (0, 0)>
#map1 = affine_map<(d0, d1) -> (0, 0, 0)>
module attributes {stable_mosaic.version = 14 : i64} {
  func.func @_sc_pos_kernel(%arg0: i32, %arg1: i32, %arg2: memref<40x128xf32, #tpu.memory_space<hbm>>, %arg3: memref<200x128xf32, #tpu.memory_space<hbm>>, %arg4: memref<40x200x256xf32, #tpu.memory_space<hbm>>, %arg5: memref<200x256xf32, #tpu.memory_space<vmem>>, %arg6: memref<200x256xf32, #tpu.memory_space<vmem>>, %arg7: memref<1x128xf32, #tpu.memory_space<vmem>>, %arg8: memref<!tpu.dma_semaphore, #tpu.memory_space<semaphore_mem>>, %arg9: memref<!tpu.dma_semaphore, #tpu.memory_space<semaphore_mem>>) attributes {dimension_semantics = [#tpu.dimension_semantics<core_parallel>, #tpu.dimension_semantics<subcore_parallel>], iteration_bounds = array<i64: 2, 16>, scalar_prefetch = 0 : i64, scratch_operands = 5 : i64, tpu.core_type = #tpu.core_type<sc_vector_subcore>, window_params = [{transform_indices = #map}, {transform_indices = #map}, {transform_indices = #map1}]} {
    %mul3A = arith.constant 2 : i32
    %mul3A_0 = arith.muli %arg1, %mul3A : i32
    %add3A = arith.addi %mul3A_0, %arg0 : i32
    "tpu.region"() ({
      %run_scoped3A = tpu.sem_alloc : memref<!tpu.dma_semaphore, #tpu.memory_space<semaphore_mem>>
      %dma_start3A = arith.constant 0 : i32
      %dma_start3A_34 = arith.constant 0 : i32
      %dma_start3A_35 = tpu.memref_slice %arg5[%dma_start3A, %dma_start3A_34] : memref<200x256xf32, #tpu.memory_space<vmem>> -> memref<200x128xf32, #tpu.memory_space<vmem>>
      %dma_start3A_36 = arith.constant 0 : i32
      %dma_start3A_37 = arith.constant 0 : i32
      %dma_start3A_38 = tpu.memref_slice %arg5[%dma_start3A_36, %dma_start3A_37] : memref<200x256xf32, #tpu.memory_space<vmem>> -> memref<200x128xf32, #tpu.memory_space<vmem>>
      tpu.enqueue_dma source(%arg3 : memref<200x128xf32, #tpu.memory_space<hbm>>) target(%dma_start3A_38 : memref<200x128xf32, #tpu.memory_space<vmem>>) target_semaphore(%run_scoped3A : memref<!tpu.dma_semaphore, #tpu.memory_space<semaphore_mem>>)
      %dma_wait3A = arith.constant 0 : i32
      %dma_wait3A_39 = arith.constant 0 : i32
      %dma_wait3A_40 = tpu.memref_slice %arg5[%dma_wait3A, %dma_wait3A_39] : memref<200x256xf32, #tpu.memory_space<vmem>> -> memref<200x128xf32, #tpu.memory_space<vmem>>
      %dma_wait3A_41 = arith.constant 0 : i32
      %dma_wait3A_42 = arith.constant 0 : i32
      %dma_wait3A_43 = tpu.memref_slice %arg5[%dma_wait3A_41, %dma_wait3A_42] : memref<200x256xf32, #tpu.memory_space<vmem>> -> memref<200x128xf32, #tpu.memory_space<vmem>>
      tpu.wait_dma2 semaphore(%run_scoped3A : memref<!tpu.dma_semaphore, #tpu.memory_space<semaphore_mem>>) src(%arg3 : memref<200x128xf32, #tpu.memory_space<hbm>>) dst(%dma_wait3A_43 : memref<200x128xf32, #tpu.memory_space<vmem>>)
      tpu.yield
    }) : () -> ()
    "tpu.region"() ({
      %run_scoped3A = tpu.sem_alloc : memref<!tpu.dma_semaphore, #tpu.memory_space<semaphore_mem>>
      %dma_start3A = arith.constant 0 : i32
      %dma_start3A_34 = arith.constant 0 : i32
      %dma_start3A_35 = tpu.memref_slice %arg6[%dma_start3A, %dma_start3A_34] : memref<200x256xf32, #tpu.memory_space<vmem>> -> memref<200x128xf32, #tpu.memory_space<vmem>>
      %dma_start3A_36 = arith.constant 0 : i32
      %dma_start3A_37 = arith.constant 0 : i32
      %dma_start3A_38 = tpu.memref_slice %arg6[%dma_start3A_36, %dma_start3A_37] : memref<200x256xf32, #tpu.memory_space<vmem>> -> memref<200x128xf32, #tpu.memory_space<vmem>>
      tpu.enqueue_dma source(%arg3 : memref<200x128xf32, #tpu.memory_space<hbm>>) target(%dma_start3A_38 : memref<200x128xf32, #tpu.memory_space<vmem>>) target_semaphore(%run_scoped3A : memref<!tpu.dma_semaphore, #tpu.memory_space<semaphore_mem>>)
      %dma_wait3A = arith.constant 0 : i32
      %dma_wait3A_39 = arith.constant 0 : i32
      %dma_wait3A_40 = tpu.memref_slice %arg6[%dma_wait3A, %dma_wait3A_39] : memref<200x256xf32, #tpu.memory_space<vmem>> -> memref<200x128xf32, #tpu.memory_space<vmem>>
      %dma_wait3A_41 = arith.constant 0 : i32
      %dma_wait3A_42 = arith.constant 0 : i32
      %dma_wait3A_43 = tpu.memref_slice %arg6[%dma_wait3A_41, %dma_wait3A_42] : memref<200x256xf32, #tpu.memory_space<vmem>> -> memref<200x128xf32, #tpu.memory_space<vmem>>
      tpu.wait_dma2 semaphore(%run_scoped3A : memref<!tpu.dma_semaphore, #tpu.memory_space<semaphore_mem>>) src(%arg3 : memref<200x128xf32, #tpu.memory_space<hbm>>) dst(%dma_wait3A_43 : memref<200x128xf32, #tpu.memory_space<vmem>>)
      tpu.yield
    }) : () -> ()
    %add3A_1 = arith.constant 0 : i32
    %add3A_2 = arith.addi %add3A, %add3A_1 : i32
    %lt3A = arith.constant 40 : i32
    %lt3A_3 = arith.cmpi slt, %add3A_2, %lt3A : i32
    %convert_element_type3A = arith.extui %lt3A_3 : i1 to i32
    %cond3A = arith.constant 0 : i32
    %cond3A_4 = arith.cmpi ne, %convert_element_type3A, %cond3A : i32
    scf.if %cond3A_4 {
      "tpu.region"() ({
        %run_scoped3A = tpu.sem_alloc : memref<!tpu.dma_semaphore, #tpu.memory_space<semaphore_mem>>
        %dma_start3A_76 = arith.constant 0 : i32
        %dma_start3A_77 = tpu.memref_slice %arg2[%add3A_2, %dma_start3A_76] : memref<40x128xf32, #tpu.memory_space<hbm>> -> memref<1x128xf32, #tpu.memory_space<hbm>>
        %dma_start3A_78 = arith.constant 0 : i32
        %dma_start3A_79 = tpu.memref_slice %arg2[%add3A_2, %dma_start3A_78] : memref<40x128xf32, #tpu.memory_space<hbm>> -> memref<1x128xf32, #tpu.memory_space<hbm>>
        tpu.enqueue_dma source(%dma_start3A_79 : memref<1x128xf32, #tpu.memory_space<hbm>>) target(%arg7 : memref<1x128xf32, #tpu.memory_space<vmem>>) target_semaphore(%run_scoped3A : memref<!tpu.dma_semaphore, #tpu.memory_space<semaphore_mem>>)
        %dma_wait3A = arith.constant 0 : i32
        %dma_wait3A_80 = tpu.memref_slice %arg2[%add3A_2, %dma_wait3A] : memref<40x128xf32, #tpu.memory_space<hbm>> -> memref<1x128xf32, #tpu.memory_space<hbm>>
        %dma_wait3A_81 = arith.constant 0 : i32
        %dma_wait3A_82 = tpu.memref_slice %arg2[%add3A_2, %dma_wait3A_81] : memref<40x128xf32, #tpu.memory_space<hbm>> -> memref<1x128xf32, #tpu.memory_space<hbm>>
        tpu.wait_dma2 semaphore(%run_scoped3A : memref<!tpu.dma_semaphore, #tpu.memory_space<semaphore_mem>>) src(%dma_wait3A_82 : memref<1x128xf32, #tpu.memory_space<hbm>>) dst(%arg7 : memref<1x128xf32, #tpu.memory_space<vmem>>)
        tpu.yield
      }) : () -> ()
      %get3A = arith.constant 0 : index
      %get3A_34 = arith.constant 0 : index
      %get3A_35 = tpu.vector_load %arg7[%get3A, %get3A_34] {strides = array<i32>} : memref<1x128xf32, #tpu.memory_space<vmem>>, vector<1x16xf32>,
      %get3A_36 = vector.shape_cast %get3A_35 : vector<1x16xf32> to vector<1x16xf32>
      %get3A_37 = arith.constant 0 : index
      %get3A_38 = arith.constant 16 : index
      %get3A_39 = tpu.vector_load %arg7[%get3A_37, %get3A_38] {strides = array<i32>} : memref<1x128xf32, #tpu.memory_space<vmem>>, vector<1x16xf32>,
      %get3A_40 = vector.shape_cast %get3A_39 : vector<1x16xf32> to vector<1x16xf32>
      %get3A_41 = arith.constant 0 : index
      %get3A_42 = arith.constant 32 : index
      %get3A_43 = tpu.vector_load %arg7[%get3A_41, %get3A_42] {strides = array<i32>} : memref<1x128xf32, #tpu.memory_space<vmem>>, vector<1x16xf32>,
      %get3A_44 = vector.shape_cast %get3A_43 : vector<1x16xf32> to vector<1x16xf32>
      %get3A_45 = arith.constant 0 : index
      %get3A_46 = arith.constant 48 : index
      %get3A_47 = tpu.vector_load %arg7[%get3A_45, %get3A_46] {strides = array<i32>} : memref<1x128xf32, #tpu.memory_space<vmem>>, vector<1x16xf32>,
      %get3A_48 = vector.shape_cast %get3A_47 : vector<1x16xf32> to vector<1x16xf32>
      %get3A_49 = arith.constant 0 : index
      %get3A_50 = arith.constant 64 : index
      %get3A_51 = tpu.vector_load %arg7[%get3A_49, %get3A_50] {strides = array<i32>} : memref<1x128xf32, #tpu.memory_space<vmem>>, vector<1x16xf32>,
      %get3A_52 = vector.shape_cast %get3A_51 : vector<1x16xf32> to vector<1x16xf32>
      %get3A_53 = arith.constant 0 : index
      %get3A_54 = arith.constant 80 : index
      %get3A_55 = tpu.vector_load %arg7[%get3A_53, %get3A_54] {strides = array<i32>} : memref<1x128xf32, #tpu.memory_space<vmem>>, vector<1x16xf32>,
      %get3A_56 = vector.shape_cast %get3A_55 : vector<1x16xf32> to vector<1x16xf32>
      %get3A_57 = arith.constant 0 : index
      %get3A_58 = arith.constant 96 : index
      %get3A_59 = tpu.vector_load %arg7[%get3A_57, %get3A_58] {strides = array<i32>} : memref<1x128xf32, #tpu.memory_space<vmem>>, vector<1x16xf32>,
      %get3A_60 = vector.shape_cast %get3A_59 : vector<1x16xf32> to vector<1x16xf32>
      %get3A_61 = arith.constant 0 : index
      %get3A_62 = arith.constant 112 : index
      %get3A_63 = tpu.vector_load %arg7[%get3A_61, %get3A_62] {strides = array<i32>} : memref<1x128xf32, #tpu.memory_space<vmem>>, vector<1x16xf32>,
      %get3A_64 = vector.shape_cast %get3A_63 : vector<1x16xf32> to vector<1x16xf32>
      %scan3A = arith.constant 0 : i32
      %scan3A_65 = arith.constant 200 : i32
      %scan3A_66 = arith.addi %scan3A, %scan3A_65 : i32
      %scan3A_67 = arith.constant 1 : i32
      scf.for %scan3A_76 = %scan3A to %scan3A_66 step %scan3A_67  : i32 {
        %mul3A_77 = arith.constant 1 : i32
        %mul3A_78 = arith.muli %scan3A_76, %mul3A_77 : i32
        %add3A_79 = arith.constant 0 : i32
        %add3A_80 = arith.addi %add3A_79, %mul3A_78 : i32
        %swap3A = arith.index_cast %add3A_80 : i32 to index
        %swap3A_81 = arith.constant 128 : index
        %swap3A_82 = tpu.vector_load %arg5[%swap3A, %swap3A_81] {strides = array<i32>} : memref<200x256xf32, #tpu.memory_space<vmem>>, vector<1x16xf32>,
        %swap3A_83 = vector.shape_cast %swap3A_82 : vector<1x16xf32> to vector<1x16xf32>
        %swap3A_84 = vector.shape_cast %get3A_36 : vector<1x16xf32> to vector<1x16xf32>
        tpu.vector_store %arg5[%swap3A, %swap3A_81], %swap3A_84 {strides = array<i32>} : memref<200x256xf32, #tpu.memory_space<vmem>>, vector<1x16xf32>,
        %swap3A_85 = arith.index_cast %add3A_80 : i32 to index
        %swap3A_86 = arith.constant 144 : index
        %swap3A_87 = tpu.vector_load %arg5[%swap3A_85, %swap3A_86] {strides = array<i32>} : memref<200x256xf32, #tpu.memory_space<vmem>>, vector<1x16xf32>,
        %swap3A_88 = vector.shape_cast %swap3A_87 : vector<1x16xf32> to vector<1x16xf32>
        %swap3A_89 = vector.shape_cast %get3A_40 : vector<1x16xf32> to vector<1x16xf32>
        tpu.vector_store %arg5[%swap3A_85, %swap3A_86], %swap3A_89 {strides = array<i32>} : memref<200x256xf32, #tpu.memory_space<vmem>>, vector<1x16xf32>,
        %swap3A_90 = arith.index_cast %add3A_80 : i32 to index
        %swap3A_91 = arith.constant 160 : index
        %swap3A_92 = tpu.vector_load %arg5[%swap3A_90, %swap3A_91] {strides = array<i32>} : memref<200x256xf32, #tpu.memory_space<vmem>>, vector<1x16xf32>,
        %swap3A_93 = vector.shape_cast %swap3A_92 : vector<1x16xf32> to vector<1x16xf32>
        %swap3A_94 = vector.shape_cast %get3A_44 : vector<1x16xf32> to vector<1x16xf32>
        tpu.vector_store %arg5[%swap3A_90, %swap3A_91], %swap3A_94 {strides = array<i32>} : memref<200x256xf32, #tpu.memory_space<vmem>>, vector<1x16xf32>,
        %swap3A_95 = arith.index_cast %add3A_80 : i32 to index
        %swap3A_96 = arith.constant 176 : index
        %swap3A_97 = tpu.vector_load %arg5[%swap3A_95, %swap3A_96] {strides = array<i32>} : memref<200x256xf32, #tpu.memory_space<vmem>>, vector<1x16xf32>,
        %swap3A_98 = vector.shape_cast %swap3A_97 : vector<1x16xf32> to vector<1x16xf32>
        %swap3A_99 = vector.shape_cast %get3A_48 : vector<1x16xf32> to vector<1x16xf32>
        tpu.vector_store %arg5[%swap3A_95, %swap3A_96], %swap3A_99 {strides = array<i32>} : memref<200x256xf32, #tpu.memory_space<vmem>>, vector<1x16xf32>,
        %swap3A_100 = arith.index_cast %add3A_80 : i32 to index
        %swap3A_101 = arith.constant 192 : index
        %swap3A_102 = tpu.vector_load %arg5[%swap3A_100, %swap3A_101] {strides = array<i32>} : memref<200x256xf32, #tpu.memory_space<vmem>>, vector<1x16xf32>,
        %swap3A_103 = vector.shape_cast %swap3A_102 : vector<1x16xf32> to vector<1x16xf32>
        %swap3A_104 = vector.shape_cast %get3A_52 : vector<1x16xf32> to vector<1x16xf32>
        tpu.vector_store %arg5[%swap3A_100, %swap3A_101], %swap3A_104 {strides = array<i32>} : memref<200x256xf32, #tpu.memory_space<vmem>>, vector<1x16xf32>,
        %swap3A_105 = arith.index_cast %add3A_80 : i32 to index
        %swap3A_106 = arith.constant 208 : index
        %swap3A_107 = tpu.vector_load %arg5[%swap3A_105, %swap3A_106] {strides = array<i32>} : memref<200x256xf32, #tpu.memory_space<vmem>>, vector<1x16xf32>,
        %swap3A_108 = vector.shape_cast %swap3A_107 : vector<1x16xf32> to vector<1x16xf32>
        %swap3A_109 = vector.shape_cast %get3A_56 : vector<1x16xf32> to vector<1x16xf32>
        tpu.vector_store %arg5[%swap3A_105, %swap3A_106], %swap3A_109 {strides = array<i32>} : memref<200x256xf32, #tpu.memory_space<vmem>>, vector<1x16xf32>,
        %swap3A_110 = arith.index_cast %add3A_80 : i32 to index
        %swap3A_111 = arith.constant 224 : index
        %swap3A_112 = tpu.vector_load %arg5[%swap3A_110, %swap3A_111] {strides = array<i32>} : memref<200x256xf32, #tpu.memory_space<vmem>>, vector<1x16xf32>,
        %swap3A_113 = vector.shape_cast %swap3A_112 : vector<1x16xf32> to vector<1x16xf32>
        %swap3A_114 = vector.shape_cast %get3A_60 : vector<1x16xf32> to vector<1x16xf32>
        tpu.vector_store %arg5[%swap3A_110, %swap3A_111], %swap3A_114 {strides = array<i32>} : memref<200x256xf32, #tpu.memory_space<vmem>>, vector<1x16xf32>,
        %swap3A_115 = arith.index_cast %add3A_80 : i32 to index
        %swap3A_116 = arith.constant 240 : index
        %swap3A_117 = tpu.vector_load %arg5[%swap3A_115, %swap3A_116] {strides = array<i32>} : memref<200x256xf32, #tpu.memory_space<vmem>>, vector<1x16xf32>,
        %swap3A_118 = vector.shape_cast %swap3A_117 : vector<1x16xf32> to vector<1x16xf32>
        %swap3A_119 = vector.shape_cast %get3A_64 : vector<1x16xf32> to vector<1x16xf32>
        tpu.vector_store %arg5[%swap3A_115, %swap3A_116], %swap3A_119 {strides = array<i32>} : memref<200x256xf32, #tpu.memory_space<vmem>>, vector<1x16xf32>,
      }
      %scan3A_68 = arith.constant 200 : i32
      %dma_start3A = arith.constant 0 : i32
      %dma_start3A_69 = arith.constant 0 : i32
      %dma_start3A_70 = tpu.memref_slice %arg4[%add3A_2, %dma_start3A, %dma_start3A_69] : memref<40x200x256xf32, #tpu.memory_space<hbm>> -> memref<1x200x256xf32, #tpu.memory_space<hbm>>
      %dma_start3A_71 = tpu.memref_squeeze %dma_start3A_70 : memref<1x200x256xf32, #tpu.memory_space<hbm>> -> memref<200x256xf32, #tpu.memory_space<hbm>>
      %dma_start3A_72 = arith.constant 0 : i32
      %dma_start3A_73 = arith.constant 0 : i32
      %dma_start3A_74 = tpu.memref_slice %arg4[%add3A_2, %dma_start3A_72, %dma_start3A_73] : memref<40x200x256xf32, #tpu.memory_space<hbm>> -> memref<1x200x256xf32, #tpu.memory_space<hbm>>
      %dma_start3A_75 = tpu.memref_squeeze %dma_start3A_74 : memref<1x200x256xf32, #tpu.memory_space<hbm>> -> memref<200x256xf32, #tpu.memory_space<hbm>>
      tpu.enqueue_dma source(%arg5 : memref<200x256xf32, #tpu.memory_space<vmem>>) target(%dma_start3A_75 : memref<200x256xf32, #tpu.memory_space<hbm>>) target_semaphore(%arg8 : memref<!tpu.dma_semaphore, #tpu.memory_space<semaphore_mem>>)
    } else {
    }
    %add3A_5 = arith.constant 32 : i32
    %add3A_6 = arith.addi %add3A, %add3A_5 : i32
    %lt3A_7 = arith.constant 40 : i32
    %lt3A_8 = arith.cmpi slt, %add3A_6, %lt3A_7 : i32
    %convert_element_type3A_9 = arith.extui %lt3A_8 : i1 to i32
    %cond3A_10 = arith.constant 0 : i32
    %cond3A_11 = arith.cmpi ne, %convert_element_type3A_9, %cond3A_10 : i32
    scf.if %cond3A_11 {
      "tpu.region"() ({
        %run_scoped3A = tpu.sem_alloc : memref<!tpu.dma_semaphore, #tpu.memory_space<semaphore_mem>>
        %dma_start3A_76 = arith.constant 0 : i32
        %dma_start3A_77 = tpu.memref_slice %arg2[%add3A_6, %dma_start3A_76] : memref<40x128xf32, #tpu.memory_space<hbm>> -> memref<1x128xf32, #tpu.memory_space<hbm>>
        %dma_start3A_78 = arith.constant 0 : i32
        %dma_start3A_79 = tpu.memref_slice %arg2[%add3A_6, %dma_start3A_78] : memref<40x128xf32, #tpu.memory_space<hbm>> -> memref<1x128xf32, #tpu.memory_space<hbm>>
        tpu.enqueue_dma source(%dma_start3A_79 : memref<1x128xf32, #tpu.memory_space<hbm>>) target(%arg7 : memref<1x128xf32, #tpu.memory_space<vmem>>) target_semaphore(%run_scoped3A : memref<!tpu.dma_semaphore, #tpu.memory_space<semaphore_mem>>)
        %dma_wait3A = arith.constant 0 : i32
        %dma_wait3A_80 = tpu.memref_slice %arg2[%add3A_6, %dma_wait3A] : memref<40x128xf32, #tpu.memory_space<hbm>> -> memref<1x128xf32, #tpu.memory_space<hbm>>
        %dma_wait3A_81 = arith.constant 0 : i32
        %dma_wait3A_82 = tpu.memref_slice %arg2[%add3A_6, %dma_wait3A_81] : memref<40x128xf32, #tpu.memory_space<hbm>> -> memref<1x128xf32, #tpu.memory_space<hbm>>
        tpu.wait_dma2 semaphore(%run_scoped3A : memref<!tpu.dma_semaphore, #tpu.memory_space<semaphore_mem>>) src(%dma_wait3A_82 : memref<1x128xf32, #tpu.memory_space<hbm>>) dst(%arg7 : memref<1x128xf32, #tpu.memory_space<vmem>>)
        tpu.yield
      }) : () -> ()
      %get3A = arith.constant 0 : index
      %get3A_34 = arith.constant 0 : index
      %get3A_35 = tpu.vector_load %arg7[%get3A, %get3A_34] {strides = array<i32>} : memref<1x128xf32, #tpu.memory_space<vmem>>, vector<1x16xf32>,
      %get3A_36 = vector.shape_cast %get3A_35 : vector<1x16xf32> to vector<1x16xf32>
      %get3A_37 = arith.constant 0 : index
      %get3A_38 = arith.constant 16 : index
      %get3A_39 = tpu.vector_load %arg7[%get3A_37, %get3A_38] {strides = array<i32>} : memref<1x128xf32, #tpu.memory_space<vmem>>, vector<1x16xf32>,
      %get3A_40 = vector.shape_cast %get3A_39 : vector<1x16xf32> to vector<1x16xf32>
      %get3A_41 = arith.constant 0 : index
      %get3A_42 = arith.constant 32 : index
      %get3A_43 = tpu.vector_load %arg7[%get3A_41, %get3A_42] {strides = array<i32>} : memref<1x128xf32, #tpu.memory_space<vmem>>, vector<1x16xf32>,
      %get3A_44 = vector.shape_cast %get3A_43 : vector<1x16xf32> to vector<1x16xf32>
      %get3A_45 = arith.constant 0 : index
      %get3A_46 = arith.constant 48 : index
      %get3A_47 = tpu.vector_load %arg7[%get3A_45, %get3A_46] {strides = array<i32>} : memref<1x128xf32, #tpu.memory_space<vmem>>, vector<1x16xf32>,
      %get3A_48 = vector.shape_cast %get3A_47 : vector<1x16xf32> to vector<1x16xf32>
      %get3A_49 = arith.constant 0 : index
      %get3A_50 = arith.constant 64 : index
      %get3A_51 = tpu.vector_load %arg7[%get3A_49, %get3A_50] {strides = array<i32>} : memref<1x128xf32, #tpu.memory_space<vmem>>, vector<1x16xf32>,
      %get3A_52 = vector.shape_cast %get3A_51 : vector<1x16xf32> to vector<1x16xf32>
      %get3A_53 = arith.constant 0 : index
      %get3A_54 = arith.constant 80 : index
      %get3A_55 = tpu.vector_load %arg7[%get3A_53, %get3A_54] {strides = array<i32>} : memref<1x128xf32, #tpu.memory_space<vmem>>, vector<1x16xf32>,
      %get3A_56 = vector.shape_cast %get3A_55 : vector<1x16xf32> to vector<1x16xf32>
      %get3A_57 = arith.constant 0 : index
      %get3A_58 = arith.constant 96 : index
      %get3A_59 = tpu.vector_load %arg7[%get3A_57, %get3A_58] {strides = array<i32>} : memref<1x128xf32, #tpu.memory_space<vmem>>, vector<1x16xf32>,
      %get3A_60 = vector.shape_cast %get3A_59 : vector<1x16xf32> to vector<1x16xf32>
      %get3A_61 = arith.constant 0 : index
      %get3A_62 = arith.constant 112 : index
      %get3A_63 = tpu.vector_load %arg7[%get3A_61, %get3A_62] {strides = array<i32>} : memref<1x128xf32, #tpu.memory_space<vmem>>, vector<1x16xf32>,
      %get3A_64 = vector.shape_cast %get3A_63 : vector<1x16xf32> to vector<1x16xf32>
      %scan3A = arith.constant 0 : i32
      %scan3A_65 = arith.constant 200 : i32
      %scan3A_66 = arith.addi %scan3A, %scan3A_65 : i32
      %scan3A_67 = arith.constant 1 : i32
      scf.for %scan3A_76 = %scan3A to %scan3A_66 step %scan3A_67  : i32 {
        %mul3A_77 = arith.constant 1 : i32
        %mul3A_78 = arith.muli %scan3A_76, %mul3A_77 : i32
        %add3A_79 = arith.constant 0 : i32
        %add3A_80 = arith.addi %add3A_79, %mul3A_78 : i32
        %swap3A = arith.index_cast %add3A_80 : i32 to index
        %swap3A_81 = arith.constant 128 : index
        %swap3A_82 = tpu.vector_load %arg6[%swap3A, %swap3A_81] {strides = array<i32>} : memref<200x256xf32, #tpu.memory_space<vmem>>, vector<1x16xf32>,
        %swap3A_83 = vector.shape_cast %swap3A_82 : vector<1x16xf32> to vector<1x16xf32>
        %swap3A_84 = vector.shape_cast %get3A_36 : vector<1x16xf32> to vector<1x16xf32>
        tpu.vector_store %arg6[%swap3A, %swap3A_81], %swap3A_84 {strides = array<i32>} : memref<200x256xf32, #tpu.memory_space<vmem>>, vector<1x16xf32>,
        %swap3A_85 = arith.index_cast %add3A_80 : i32 to index
        %swap3A_86 = arith.constant 144 : index
        %swap3A_87 = tpu.vector_load %arg6[%swap3A_85, %swap3A_86] {strides = array<i32>} : memref<200x256xf32, #tpu.memory_space<vmem>>, vector<1x16xf32>,
        %swap3A_88 = vector.shape_cast %swap3A_87 : vector<1x16xf32> to vector<1x16xf32>
        %swap3A_89 = vector.shape_cast %get3A_40 : vector<1x16xf32> to vector<1x16xf32>
        tpu.vector_store %arg6[%swap3A_85, %swap3A_86], %swap3A_89 {strides = array<i32>} : memref<200x256xf32, #tpu.memory_space<vmem>>, vector<1x16xf32>,
        %swap3A_90 = arith.index_cast %add3A_80 : i32 to index
        %swap3A_91 = arith.constant 160 : index
        %swap3A_92 = tpu.vector_load %arg6[%swap3A_90, %swap3A_91] {strides = array<i32>} : memref<200x256xf32, #tpu.memory_space<vmem>>, vector<1x16xf32>,
        %swap3A_93 = vector.shape_cast %swap3A_92 : vector<1x16xf32> to vector<1x16xf32>
        %swap3A_94 = vector.shape_cast %get3A_44 : vector<1x16xf32> to vector<1x16xf32>
        tpu.vector_store %arg6[%swap3A_90, %swap3A_91], %swap3A_94 {strides = array<i32>} : memref<200x256xf32, #tpu.memory_space<vmem>>, vector<1x16xf32>,
        %swap3A_95 = arith.index_cast %add3A_80 : i32 to index
        %swap3A_96 = arith.constant 176 : index
        %swap3A_97 = tpu.vector_load %arg6[%swap3A_95, %swap3A_96] {strides = array<i32>} : memref<200x256xf32, #tpu.memory_space<vmem>>, vector<1x16xf32>,
        %swap3A_98 = vector.shape_cast %swap3A_97 : vector<1x16xf32> to vector<1x16xf32>
        %swap3A_99 = vector.shape_cast %get3A_48 : vector<1x16xf32> to vector<1x16xf32>
        tpu.vector_store %arg6[%swap3A_95, %swap3A_96], %swap3A_99 {strides = array<i32>} : memref<200x256xf32, #tpu.memory_space<vmem>>, vector<1x16xf32>,
        %swap3A_100 = arith.index_cast %add3A_80 : i32 to index
        %swap3A_101 = arith.constant 192 : index
        %swap3A_102 = tpu.vector_load %arg6[%swap3A_100, %swap3A_101] {strides = array<i32>} : memref<200x256xf32, #tpu.memory_space<vmem>>, vector<1x16xf32>,
        %swap3A_103 = vector.shape_cast %swap3A_102 : vector<1x16xf32> to vector<1x16xf32>
        %swap3A_104 = vector.shape_cast %get3A_52 : vector<1x16xf32> to vector<1x16xf32>
        tpu.vector_store %arg6[%swap3A_100, %swap3A_101], %swap3A_104 {strides = array<i32>} : memref<200x256xf32, #tpu.memory_space<vmem>>, vector<1x16xf32>,
        %swap3A_105 = arith.index_cast %add3A_80 : i32 to index
        %swap3A_106 = arith.constant 208 : index
        %swap3A_107 = tpu.vector_load %arg6[%swap3A_105, %swap3A_106] {strides = array<i32>} : memref<200x256xf32, #tpu.memory_space<vmem>>, vector<1x16xf32>,
        %swap3A_108 = vector.shape_cast %swap3A_107 : vector<1x16xf32> to vector<1x16xf32>
        %swap3A_109 = vector.shape_cast %get3A_56 : vector<1x16xf32> to vector<1x16xf32>
        tpu.vector_store %arg6[%swap3A_105, %swap3A_106], %swap3A_109 {strides = array<i32>} : memref<200x256xf32, #tpu.memory_space<vmem>>, vector<1x16xf32>,
        %swap3A_110 = arith.index_cast %add3A_80 : i32 to index
        %swap3A_111 = arith.constant 224 : index
        %swap3A_112 = tpu.vector_load %arg6[%swap3A_110, %swap3A_111] {strides = array<i32>} : memref<200x256xf32, #tpu.memory_space<vmem>>, vector<1x16xf32>,
        %swap3A_113 = vector.shape_cast %swap3A_112 : vector<1x16xf32> to vector<1x16xf32>
        %swap3A_114 = vector.shape_cast %get3A_60 : vector<1x16xf32> to vector<1x16xf32>
        tpu.vector_store %arg6[%swap3A_110, %swap3A_111], %swap3A_114 {strides = array<i32>} : memref<200x256xf32, #tpu.memory_space<vmem>>, vector<1x16xf32>,
        %swap3A_115 = arith.index_cast %add3A_80 : i32 to index
        %swap3A_116 = arith.constant 240 : index
        %swap3A_117 = tpu.vector_load %arg6[%swap3A_115, %swap3A_116] {strides = array<i32>} : memref<200x256xf32, #tpu.memory_space<vmem>>, vector<1x16xf32>,
        %swap3A_118 = vector.shape_cast %swap3A_117 : vector<1x16xf32> to vector<1x16xf32>
        %swap3A_119 = vector.shape_cast %get3A_64 : vector<1x16xf32> to vector<1x16xf32>
        tpu.vector_store %arg6[%swap3A_115, %swap3A_116], %swap3A_119 {strides = array<i32>} : memref<200x256xf32, #tpu.memory_space<vmem>>, vector<1x16xf32>,
      }
      %scan3A_68 = arith.constant 200 : i32
      %dma_start3A = arith.constant 0 : i32
      %dma_start3A_69 = arith.constant 0 : i32
      %dma_start3A_70 = tpu.memref_slice %arg4[%add3A_6, %dma_start3A, %dma_start3A_69] : memref<40x200x256xf32, #tpu.memory_space<hbm>> -> memref<1x200x256xf32, #tpu.memory_space<hbm>>
      %dma_start3A_71 = tpu.memref_squeeze %dma_start3A_70 : memref<1x200x256xf32, #tpu.memory_space<hbm>> -> memref<200x256xf32, #tpu.memory_space<hbm>>
      %dma_start3A_72 = arith.constant 0 : i32
      %dma_start3A_73 = arith.constant 0 : i32
      %dma_start3A_74 = tpu.memref_slice %arg4[%add3A_6, %dma_start3A_72, %dma_start3A_73] : memref<40x200x256xf32, #tpu.memory_space<hbm>> -> memref<1x200x256xf32, #tpu.memory_space<hbm>>
      %dma_start3A_75 = tpu.memref_squeeze %dma_start3A_74 : memref<1x200x256xf32, #tpu.memory_space<hbm>> -> memref<200x256xf32, #tpu.memory_space<hbm>>
      tpu.enqueue_dma source(%arg6 : memref<200x256xf32, #tpu.memory_space<vmem>>) target(%dma_start3A_75 : memref<200x256xf32, #tpu.memory_space<hbm>>) target_semaphore(%arg9 : memref<!tpu.dma_semaphore, #tpu.memory_space<semaphore_mem>>)
    } else {
    }
    %add3A_12 = arith.constant 0 : i32
    %add3A_13 = arith.addi %add3A, %add3A_12 : i32
    %lt3A_14 = arith.constant 40 : i32
    %lt3A_15 = arith.cmpi slt, %add3A_13, %lt3A_14 : i32
    %add3A_16 = arith.constant 64 : i32
    %add3A_17 = arith.addi %add3A_13, %add3A_16 : i32
    %ge3A = arith.constant 40 : i32
    %ge3A_18 = arith.cmpi sge, %add3A_17, %ge3A : i32
    %and3A = arith.andi %lt3A_15, %ge3A_18 : i1
    %convert_element_type3A_19 = arith.extui %and3A : i1 to i32
    %cond3A_20 = arith.constant 0 : i32
    %cond3A_21 = arith.cmpi ne, %convert_element_type3A_19, %cond3A_20 : i32
    scf.if %cond3A_21 {
      %dma_wait3A = arith.constant 0 : i32
      %dma_wait3A_34 = arith.constant 0 : i32
      %dma_wait3A_35 = tpu.memref_slice %arg4[%add3A_13, %dma_wait3A, %dma_wait3A_34] : memref<40x200x256xf32, #tpu.memory_space<hbm>> -> memref<1x200x256xf32, #tpu.memory_space<hbm>>
      %dma_wait3A_36 = tpu.memref_squeeze %dma_wait3A_35 : memref<1x200x256xf32, #tpu.memory_space<hbm>> -> memref<200x256xf32, #tpu.memory_space<hbm>>
      %dma_wait3A_37 = arith.constant 0 : i32
      %dma_wait3A_38 = arith.constant 0 : i32
      %dma_wait3A_39 = tpu.memref_slice %arg4[%add3A_13, %dma_wait3A_37, %dma_wait3A_38] : memref<40x200x256xf32, #tpu.memory_space<hbm>> -> memref<1x200x256xf32, #tpu.memory_space<hbm>>
      %dma_wait3A_40 = tpu.memref_squeeze %dma_wait3A_39 : memref<1x200x256xf32, #tpu.memory_space<hbm>> -> memref<200x256xf32, #tpu.memory_space<hbm>>
      tpu.wait_dma2 semaphore(%arg8 : memref<!tpu.dma_semaphore, #tpu.memory_space<semaphore_mem>>) src(%arg5 : memref<200x256xf32, #tpu.memory_space<vmem>>) dst(%dma_wait3A_40 : memref<200x256xf32, #tpu.memory_space<hbm>>)
    } else {
    }
    %add3A_22 = arith.constant 32 : i32
    %add3A_23 = arith.addi %add3A, %add3A_22 : i32
    %lt3A_24 = arith.constant 40 : i32
    %lt3A_25 = arith.cmpi slt, %add3A_23, %lt3A_24 : i32
    %add3A_26 = arith.constant 64 : i32
    %add3A_27 = arith.addi %add3A_23, %add3A_26 : i32
    %ge3A_28 = arith.constant 40 : i32
    %ge3A_29 = arith.cmpi sge, %add3A_27, %ge3A_28 : i32
    %and3A_30 = arith.andi %lt3A_25, %ge3A_29 : i1
    %convert_element_type3A_31 = arith.extui %and3A_30 : i1 to i32
    %cond3A_32 = arith.constant 0 : i32
    %cond3A_33 = arith.cmpi ne, %convert_element_type3A_31, %cond3A_32 : i32
    scf.if %cond3A_33 {
      %dma_wait3A = arith.constant 0 : i32
      %dma_wait3A_34 = arith.constant 0 : i32
      %dma_wait3A_35 = tpu.memref_slice %arg4[%add3A_23, %dma_wait3A, %dma_wait3A_34] : memref<40x200x256xf32, #tpu.memory_space<hbm>> -> memref<1x200x256xf32, #tpu.memory_space<hbm>>
      %dma_wait3A_36 = tpu.memref_squeeze %dma_wait3A_35 : memref<1x200x256xf32, #tpu.memory_space<hbm>> -> memref<200x256xf32, #tpu.memory_space<hbm>>
      %dma_wait3A_37 = arith.constant 0 : i32
      %dma_wait3A_38 = arith.constant 0 : i32
      %dma_wait3A_39 = tpu.memref_slice %arg4[%add3A_23, %dma_wait3A_37, %dma_wait3A_38] : memref<40x200x256xf32, #tpu.memory_space<hbm>> -> memref<1x200x256xf32, #tpu.memory_space<hbm>>
      %dma_wait3A_40 = tpu.memref_squeeze %dma_wait3A_39 : memref<1x200x256xf32, #tpu.memory_space<hbm>> -> memref<200x256xf32, #tpu.memory_space<hbm>>
      tpu.wait_dma2 semaphore(%arg9 : memref<!tpu.dma_semaphore, #tpu.memory_space<semaphore_mem>>) src(%arg6 : memref<200x256xf32, #tpu.memory_space<vmem>>) dst(%dma_wait3A_40 : memref<200x256xf32, #tpu.memory_space<hbm>>)
    } else {
    }
    return
  }
}

module attributes {stable_mosaic.version = 14 : i64} {
  func.func @_tc_body(%arg0: i32, %arg1: memref<20x1x128xf32, #tpu.memory_space<vmem>>, %arg2: memref<200x128xf32, #tpu.memory_space<vmem>>, %arg3: memref<20x200x256xf32, #tpu.memory_space<vmem>>) attributes {dimension_semantics = [#tpu.dimension_semantics<arbitrary>], iteration_bounds = array<i64: 8>, scalar_prefetch = 0 : i64, scratch_operands = 0 : i64, tpu.core_type = #tpu.core_type<tc>, window_params = [{transform_indices = @transform_0, window_bounds = array<i64: 20, 1, 128>}, {pipeline_mode = #tpu.pipeline_mode<synchronous>, transform_indices = @transform_1, window_bounds = array<i64: 200, 128>}, {transform_indices = @transform_2, window_bounds = array<i64: 20, 200, 256>}]} {
    %get3A = arith.constant 0 : index
    %get3A_0 = arith.constant 0 : index
    %get3A_1 = vector.load %arg2[%get3A, %get3A_0] : memref<200x128xf32, #tpu.memory_space<vmem>>, vector<200x128xf32>
    %get3A_2 = arith.constant 0 : index
    %get3A_3 = arith.constant 0 : index
    %get3A_4 = arith.constant 0 : index
    %get3A_5 = vector.load %arg1[%get3A_2, %get3A_3, %get3A_4] : memref<20x1x128xf32, #tpu.memory_space<vmem>>, vector<20x1x128xf32>
    %broadcast_in_dim3A = vector.shape_cast %get3A_1 : vector<200x128xf32> to vector<1x200x128xf32>
    %broadcast_in_dim3A_6 = vector.shape_cast %broadcast_in_dim3A : vector<1x200x128xf32> to vector<1x200x128xf32>
    %broadcast_in_dim3A_7 = vector.broadcast %broadcast_in_dim3A_6 : vector<1x200x128xf32> to vector<20x200x128xf32>
    %swap3A = arith.constant 0 : index
    %swap3A_8 = arith.constant 0 : index
    %swap3A_9 = arith.constant 0 : index
    %swap3A_10 = vector.load %arg3[%swap3A, %swap3A_8, %swap3A_9] : memref<20x200x256xf32, #tpu.memory_space<vmem>>, vector<20x200x128xf32>
    tpu.vector_store %arg3[%swap3A, %swap3A_8, %swap3A_9], %broadcast_in_dim3A_7 {strides = array<i32>} : memref<20x200x256xf32, #tpu.memory_space<vmem>>, vector<20x200x128xf32>,
    %broadcast_in_dim3A_11 = vector.shape_cast %get3A_5 : vector<20x1x128xf32> to vector<20x1x128xf32>
    %broadcast_in_dim3A_12 = vector.broadcast %broadcast_in_dim3A_11 : vector<20x1x128xf32> to vector<20x200x128xf32>
    %swap3A_13 = arith.constant 0 : index
    %swap3A_14 = arith.constant 0 : index
    %swap3A_15 = arith.constant 128 : index
    %swap3A_16 = vector.load %arg3[%swap3A_13, %swap3A_14, %swap3A_15] : memref<20x200x256xf32, #tpu.memory_space<vmem>>, vector<20x200x128xf32>
    tpu.vector_store %arg3[%swap3A_13, %swap3A_14, %swap3A_15], %broadcast_in_dim3A_12 {strides = array<i32>} : memref<20x200x256xf32, #tpu.memory_space<vmem>>, vector<20x200x128xf32>,
    return
  }
  func.func @transform_0(%arg0: i32) -> (i32, i32, i32) {
    %c0_i32 = arith.constant 0 : i32
    %c0_i32_0 = arith.constant 0 : i32
    %c0_i32_1 = arith.constant 0 : i32
    return %arg0, %c0_i32, %c0_i32_0 : i32, i32, i32
  }
  func.func @transform_1(%arg0: i32) -> (i32, i32) {
    %c0_i32 = arith.constant 0 : i32
    %c0_i32_0 = arith.constant 0 : i32
    %c0_i32_1 = arith.constant 0 : i32
    return %c0_i32, %c0_i32_0 : i32, i32
  }
  func.func @transform_2(%arg0: i32) -> (i32, i32, i32) {
    %c0_i32 = arith.constant 0 : i32
    %c0_i32_0 = arith.constant 0 : i32
    %c0_i32_1 = arith.constant 0 : i32
    return %arg0, %c0_i32, %c0_i32_0 : i32, i32, i32
  }
}

</mosaic_0001>

<sc_bundles>
// kernel: kernel.4.cloned.1.call-start
scs
__scs_entry_jumppad:
0x0: {  	(pc) =	sbr.rel $0x88, $3  }
0x1: {  	(tag) =	ssettag $0x0;
	lr =	simm.s32 $0x1  }
0x2: {  	[smem:$0x3F9F] =	sst lr;
	_ =	strace $0xD0000000  }
0x3: {  	_ = 	snop  }
0x4: {  	_ = 	snop  }
0x5: {  	_ = 	snop  }
0x6: {  	_ = 	snop  }
0x7: {  	_ = 	snop  }
__scs_overlays_trampoline_lowered:
0x8: {  	[smem:$0x3FAE] =	sst s0  }
0x9: {  	[smem:$0x3FAF] =	sst s1  }
0xa: {  	[smem:$0x3FB0] =	sst s2  }
0xb: {  	[smem:$0x3FB1] =	sst s3  }
0xc: {  	[smem:$0x3FB2] =	sst s4  }
0xd: {  	[smem:$0x3FB3] =	sst s5  }
0xe: {  	[smem:$0x3FB4] =	sst s6  }
0xf: {  	[smem:$0x3FB5] =	sst s7  }
0x10: {  	[smem:$0x3FB6] =	sst s8  }
0x11: {  	[smem:$0x3FB7] =	sst s9;
	s0 =	simm.s32 @!p0 $0x0  }
0x12: {  	s1 =	sld [smem:$0x3F9D];
	s0 =	simm.s32 @p0 $0x1  }
0x13: {  	[smem:$0x3FB8] =	sst s0;
	s0 =	simm.s32 @!p1 $0x0  }
0x14: {  	s2 =	sld [smem:$0x3F9C];
	s0 =	simm.s32 @p1 $0x1  }
0x15: {  	[smem:$0x3FB9] =	sst s0;
	s0 =	simm.s32 @!p2 $0x0  }
0x16: {  	s3 =	sld [smem:$0x3FDB];
	s0 =	simm.s32 @p2 $0x1  }
0x17: {  	s4 =	simm.s32 $0x1BF5;
	[smem:$0x3FBB] =	sst s0  }
0x18: {  	s0 =	sld [smem:$0x3F9E];
	_ =	swait.ge [sflag:s4], $0x0  }
0x19: {  	s7 =	sld [smem:$0x3F9F]  }
0x1a: {  	s8 =	sadd.s32 $0xFFFFE003, lr  }
0x1b: {  	s9 =	sadd.s32 $0xFFFFFEF7, lr;
	s5 =	simm.s32 $0xFFFFFFFF;
	p2 =	slt.u32 s8, $0xFFFFF086  }
0x1c: {  	p1 =	slt.u32 s9, $0xF7A;
	s5 =	simm.s32 @!p2 $0x0  }
0x1d: {  	s5 =	simm.s32 @p1 $0x1;
	p0 =	seq.s32 s7, s2  }
0x1e: {  	s7 =	smul.u32 @!p0 $0xF7A, s2;
	p2 =	seq.s32 @!p0 s5, $0x0  }
0x1f: {  	s9 =	smul.u32 $0xF7A, s1;
	s8 =	simm.s32 @!p0 $0x1BF5;
	p2 =	por !p2, p0  }
0x20: {  	[sflag:s8] =	ssyncset.s32 @!p0 $0xFFFFF086;
	s6 =	sadd.s32 @!p0 s3, s7;
	s7 =	simm.s32 @!p0 $0x108  }
0x21: {  	s3 =	sadd.s32 s3, s9;
	s6 =	sadd.s32 @!p0 $0x88, s6;
	s7 =	simm.s32 @p2 $0x1082  }
0x22: {  	[simem:s7], [sflag:s8] =	dma.local @!p0 [hbm:s6], $0xF7A  }
0x23: {  	s9 =	sor.u32 $0xD0000000, s2;
	s6 =	simm.s32 $0x108;
	_ =	swait.ge @!p0 [sflag:s8], $0x0  }
0x24: {  	s3 =	sadd.s32 $0x88, s3;
	s6 =	simm.s32 @!p1 $0x1082;
	[sflag:s4] =	ssyncset.s32 $0xFFFFF086  }
0x25: {  	[simem:s6], [sflag:s4] =	dma.local [hbm:s3], $0xF7A  }
0x26: {  	[smem:$0x3F9F] =	sst s1;
	(tag) =	ssettag s2;
	_ =	strace s9  }
0x27: {  	s1 =	sld [smem:$0x3FAF]  }
0x28: {  	s2 =	sld [smem:$0x3FB0]  }
0x29: {  	s4 =	sld [smem:$0x3FB2]  }
0x2a: {  	p0 =	seq.s32 s5, $0x0;
	s5 =	sld [smem:$0x3FB3]  }
0x2b: {  	s6 =	sld [smem:$0x3FB4]  }
0x2c: {  	s7 =	sld [smem:$0x3FB5]  }
0x2d: {  	s3 =	simm.s32 $0x108;
	s8 =	sld [smem:$0x3FB6]  }
0x2e: {  	s3 =	simm.s32 @!p0 $0x1082;
	s9 =	sld [smem:$0x3FB7]  }
0x2f: {  	lr =	sadd.s32 s0, s3;
	s0 =	sld [smem:$0x3FAE]  }
0x30: {  	s3 =	sld [smem:$0x3FB1]  }
0x31: {  	[smem:$0x3FBA] =	sst s10  }
0x32: {  	s10 =	sld [smem:$0x3FB8];
	_ =	sdelay $0x3  }
0x33: {  	p0 =	seq.s32 s10, $0x1;
	s10 =	sld [smem:$0x3FBA];
	_ =	sdelay $0x3  }
0x34: {  	[smem:$0x3FBA] =	sst s10  }
0x35: {  	s10 =	sld [smem:$0x3FB9];
	_ =	sdelay $0x3  }
0x36: {  	p1 =	seq.s32 s10, $0x1;
	s10 =	sld [smem:$0x3FBA];
	_ =	sdelay $0x3  }
0x37: {  	[smem:$0x3FBA] =	sst s10  }
0x38: {  	s10 =	sld [smem:$0x3FBB]  }
0x39: {  	_ = 	snop;
	(pc) =	sbr.ind lr, $3  }
0x3a: {  	_ = 	snop  }
0x3b: {  	_ = 	snop  }
0x3c: {  	p2 =	seq.s32 s10, $0x1;
	s10 =	sld [smem:$0x3FBA]  }
0x3d: {  	_ =	shalt  }
0x3e: {  	_ =	shalt  }
0x3f: {  	_ =	shalt  }
0x40: {  	_ =	shalt  }
0x41: {  	_ =	shalt  }
0x42: {  	_ =	shalt  }
0x43: {  	_ =	shalt  }
0x44: {  	_ =	shalt  }
0x45: {  	_ =	shalt  }
0x46: {  	_ =	shalt  }
0x47: {  	_ =	shalt  }
0x48: {  	_ =	shalt  }
0x49: {  	_ =	shalt  }
0x4a: {  	_ =	shalt  }
0x4b: {  	_ =	shalt  }
0x4c: {  	_ =	shalt  }
0x4d: {  	_ =	shalt  }
0x4e: {  	_ =	shalt  }
0x4f: {  	_ =	shalt  }
0x50: {  	_ =	shalt  }
0x51: {  	_ =	shalt  }
0x52: {  	_ =	shalt  }
0x53: {  	_ =	shalt  }
0x54: {  	_ =	shalt  }
0x55: {  	_ =	shalt  }
0x56: {  	_ =	shalt  }
0x57: {  	_ =	shalt  }
0x58: {  	_ =	shalt  }
0x59: {  	_ =	shalt  }
0x5a: {  	_ =	shalt  }
0x5b: {  	_ =	shalt  }
0x5c: {  	_ =	shalt  }
0x5d: {  	_ =	shalt  }
0x5e: {  	_ =	shalt  }
0x5f: {  	_ =	shalt  }
0x60: {  	_ =	shalt  }
0x61: {  	_ =	shalt  }
0x62: {  	_ =	shalt  }
0x63: {  	_ =	shalt  }
0x64: {  	_ =	shalt  }
0x65: {  	_ =	shalt  }
0x66: {  	_ =	shalt  }
0x67: {  	_ =	shalt  }
0x68: {  	_ =	shalt  }
0x69: {  	_ =	shalt  }
0x6a: {  	_ =	shalt  }
0x6b: {  	_ =	shalt  }
0x6c: {  	_ =	shalt  }
0x6d: {  	_ =	shalt  }
0x6e: {  	_ =	shalt  }
0x6f: {  	_ =	shalt  }
0x70: {  	_ =	shalt  }
0x71: {  	_ =	shalt  }
0x72: {  	_ =	shalt  }
0x73: {  	_ =	shalt  }
0x74: {  	_ =	shalt  }
0x75: {  	_ =	shalt  }
0x76: {  	_ =	shalt  }
0x77: {  	_ =	shalt  }
0x78: {  	_ =	shalt  }
0x79: {  	_ =	shalt  }
0x7a: {  	_ =	shalt  }
0x7b: {  	_ =	shalt  }
0x7c: {  	_ =	shalt  }
0x7d: {  	_ =	shalt  }
0x7e: {  	_ =	shalt  }
0x7f: {  	_ =	shalt  }
0x80: {  	_ =	shalt  }
0x81: {  	_ =	shalt  }
0x82: {  	_ =	shalt  }
0x83: {  	_ =	shalt  }
0x84: {  	_ =	shalt  }
0x85: {  	_ =	shalt  }
0x86: {  	_ =	shalt  }
0x87: {  	_ =	shalt  }
.Lfunc_end0:
.L_simem_size_0:
called_computation_lowered:
.L_overlay_start_0:
0x88: {  	s2 =	sld [smem:$0x3FD9]  }
0x89: {  	s3 =	sld [smem:$0x3FFE];
	_ =	sdelay $0x1  }
0x8a: {  	s1 =	srdreg.scid  }
0x8b: {  	s0 =	sand.u32 $0x1, s1  }
0x8c: {  	s17 =	sshll.u32 s0, $0xA;
	s2 =	sadd.s32 s3, s2  }
0x8d: {  	s2 =	sadd.s32 s2, s17  }
0x8e: {  	[smem:$0x3FC6] =	sst s2  }
0x8f: {  	_ = 	snop  }
0x90: {  	s2 =	sld [smem:$0x3FC8]  }
0x91: {  	s18 =	sld [smem:$0x3FD0];
	(tm) =	ssettm $0x1  }
0x92: {  	s4 =	sld [smem:$0x3FFB];
	_ =	sdelay $0x3  }
0x93: {  	_ =	strace s4  }
0x94: {  	s4 =	sld [smem:$0x3FFC];
	_ =	sdelay $0x3  }
0x95: {  	_ =	strace s4  }
0x96: {  	s4 =	sld [smem:$0x3FFD];
	_ =	sdelay $0x3  }
0x97: {  	_ =	strace s4  }
0x98: {  	_ =	strace $0x8FFFFFFF  }
0x99: {  	s19 =	sld [smem:$0x3FDB];
	_ =	sdelay $0x1  }
0x9a: {  	s5 =	simm.s32 $_scs_section_size  }
0x9b: {  	s6 =	simm.s32 $_size__tile_overlayer_lowered;
	s7 =	simm.s32 $_tile_overlayer_lowered  }
0x9c: {  	s22 =	simm.s32 $0x1BFF;
	s21 =	sshll.u32 s7, $0x1;
	s4 =	sadd.s32 s5, s19  }
0x9d: {  	s8 =	simm.s32 $0x0;
	s20 =	sshll.u32 s6, $0x1;
	s6 =	sadd.s32 s21, s4  }
0x9e: {  	[timem:s8], [sflag:s22] =	dma.local [hbm:s6], s20  }
0x9f: {  	_ =	swait.ge [sflag:s22], s20  }
0xa0: {  	s5 =	ssub.s32 $0x0, s20;
	[sflag:s22] =	ssyncset.done $0x0  }
0xa1: {  	[sflag:s22] =	ssyncadd.s32 s5;
	_ =	sdelay $0x1  }
0xa2: {  	s23 =	simm.s32 $0x1B8B  }
0xa3: {  	_ =	swait.ge [sflag:s23], $0x1  }
0xa4: {  	[sflag:s23] =	ssyncset.done $0x0  }
0xa5: {  	s25 =	simm.s32 $0x1B8E;
	s24 =	sld [smem:$0x3FFE];
	[sflag:s23] =	ssyncadd.s32 $0xFFFFFFFF  }
0xa6: {  	s26 =	simm.s32 $execute0_lowered;
	[smem:$0x3FD2] =	sst s25  }
0xa7: {  	s6 =	sshll.u32 s26, $0x1;
	_ =	strace $0x80000046;
	[dreg:$0x1] =	wrdreg $0xFFFFFFFF  }
0xa8: {  	s28 =	simm.s32 $_size_execute0_lowered;
	s4 =	sadd.s32 s4, s6;
	[dreg:$0x0] =	wrdreg $0x0  }
0xa9: {  	s6 =	sshll.u32 s28, $0x1;
	[dreg:$0x2] =	wrdreg s4  }
0xaa: {  	[dreg:$0x3] =	wrdreg s6  }
0xab: {  	[dreg:$0x4] =	wrdreg $0xC0  }
0xac: {  	_ =	task [dreg:s8], $0x5FFFF  }
0xad: {  	[dreg:$0x1] =	wrdreg $0xFFFFFFFF  }
0xae: {  	[dreg:$0x0] =	wrdreg $0x60  }
0xaf: {  	[dreg:$0x2] =	wrdreg s18  }
0xb0: {  	[dreg:$0x3] =	wrdreg s2  }
0xb1: {  	[dreg:$0x4] =	wrdreg s24  }
0xb2: {  	[dreg:$0x5] =	wrdreg $0x9  }
0xb3: {  	_ =	task.clear_ibuf [dreg:s8], $0x6FFFF;
	_ =	strace $0x90000046  }
0xb4: {  	s29 =	simm.s32 $0x9;
	_ =	strace $0x80000048  }
0xb5: {  	_ =	swait.ge [sflag:s29], $0x1  }
0xb6: {  	[sflag:s29] =	ssyncadd.s32 $0xFFFFFFFF  }
0xb7: {  	_ =	strace $0x90000048  }
0xb8: {  	_ =	sfence  }
0xb9: {  	s30 =	sld [smem:$0x0];
	_ =	sdelay $0x2  }
0xba: {  	s31 =	sshll.u32 s1, $0xD;
	s1 =	sshrl.u32 s1, $0x2  }
0xbb: {  	s3 =	sand.u32 $0x4000, s31;
	s1 =	sadd.s32 s1, s30  }
0xbc: {  	s0 =	sor.u32 s3, s0;
	s1 =	sshll.u32 s1, $0x11  }
0xbd: {  	s0 =	sor.u32 s1, s0  }
0xbe: {  	s0 =	sadd.s32 $0x8F2B, s0  }
0xbf: {  	[sflag:s0] =	ssyncadd.remote.s32 $0x1  }
0xc0: {  	_ =	sfence.sel $0xFFFF  }
0xc1: {  	[dreg:$0x0] =	wrdreg $0xFFFFFFFF;
	(pc) =	sbr.abs _section_cstart, $3  }
0xc2: {  	[dreg:$0x1] =	wrdreg $0xFFFFFFFF  }
0xc3: {  	_ =	task.clear_ibuf [dreg:s8], $0x2FFFF;
	_ =	strace $0x9FFFFFFF  }
0xc4: {  	(tm) =	ssettm $0x7FFFFFFF  }
0xc5: {  	_ =	shalt  }
tec
execute0_lowered:
.L_overlay_start_1:
0x0: {  	(tag) =	ssettag $0x1  }
0x1: {  	s4 =	rddreg [dreg:$0x0]  }
0x2: {  	s2 =	rddreg [dreg:$0x1]  }
0x3: {  	s5 =	rddreg [dreg:$0x2]  }
0x4: {  	s0 =	rddreg [dreg:$0x3]  }
0x5: {  	s6 =	srdreg.scid;
	s1 =	stileid.u32  }
0x6: {  	s3 =	simm.s32 $0x0;
	s6 =	sand.u32 $0x1, s6;
	s7 =	sshll.u32 s1, $0x1  }
0x7: {  	s12 =	simm.s32 $0x1;
	s13 =	simm.s32 $0x0;
	s7 =	sor.u32 s6, s7  }
0x8: {  	[smem:$0x7FF] =	sst s3;
	s9 =	sadd.s32 $0x600, s5;
	s8 =	smul.u32 $0xC800, s7  }
0x9: {  	p0 =	sgt.u32 s1, $0x3;
	s6 =	ssub.s32 $0x2, s6;
	s10 =	smul.u32 $0x1900, s7  }
.Ltmp0:
0xa: {  	s28 =	sshrl.u32 s6, $0x1;
	s29 =	sshll.u32 s7, $0x4;
	(pc) =	sbr.rel .LBB2_1-.Ltmp0, $4  }
0xb: {  	_ =	strace $0x80000047;
	s11 =	ssub.s32 s6, s28;
	s4 =	sadd.s32 s4, s29  }
0xc: {  	s30 =	sshrl.u32 s8, $0x3;
	s5 =	sadd.s32 s9, s10;
	s6 =	sadd.s32 $0x200, s4  }
0xd: {  	s8 =	smax.u32 s11, $0x1;
	s10 =	simm.s32 $0x19000;
	s31 =	sadd.s32 s9, s30  }
0xe: {  	s11 =	simm.s32 $0xC800;
	s9 =	simm.s32 $0x3;
	s7 =	sadd.s32 $0x32000, s31  }
.LBB2_10:
0xf: {  	s15 =	sor.u32 s18, s17;
	[tilespmem:s14+$0xCC60] =	vst v6  }
0x10: {  	[tilespmem:s15+$0xCC70] =	vst v7  }
0x11: {  	[tilespmem:s15+$0xCC00] =	vst v0  }
0x12: {  	[tilespmem:s15+$0xCC10] =	vst v1  }
0x13: {  	[tilespmem:s15+$0xCC20] =	vst v2  }
0x14: {  	[tilespmem:s15+$0xCC30] =	vst v3  }
0x15: {  	[tilespmem:s15+$0xCC40] =	vst v4  }
0x16: {  	[tilespmem:s15+$0xCC50] =	vst v5  }
0x17: {  	[tilespmem:s15+$0xCC60] =	vst v6  }
0x18: {  	[hbm4b:s7+s3] =	stream.linear.scatter [tilespmem:s11], [sflag:$0x2], $0xC800, $0x38;
	[tilespmem:$0x19080] =	vst v63  }
0x19: {  	_ =	swait.ge [sflag:s12], $0xC800  }
0x1a: {  	[sflag:s12] =	ssyncset.done $0x0  }
0x1b: {  	s14 =	simm.s32 $0x2;
	[sflag:s12] =	ssyncadd.s32 $0xFFFF3800  }
.LBB2_11:
0x1c: {  	s13 =	sadd.s32 $0x1, s13  }
0x1d: {  	p1 =	sne.s32 s13, s8  }
.Ltmp1:
0x1e: {  	_ = 	snop;
	(pc) =	sbr.rel @!p1 .LBB2_12-.Ltmp1, $4  }
0x1f: {  	_ = 	snop  }
0x20: {  	_ =	swait.ge [sflag:s14], $0xC800  }
0x21: {  	[sflag:s14] =	ssyncset.done $0x0  }
0x22: {  	[sflag:s14] =	ssyncadd.s32 $0xFFFF3800  }
.LBB2_1:
0x23: {  	s14 =	simm.s32 $0x80  }
0x24: {  	s17 =	sadd.s32 $0x0, s2;
	s15 =	simm.s32 $0x800;
	s16 =	simm.s32 $0x0  }
.LBB2_2:
0x25: {  	[tilespmem:s16], [sflag:$0x3] =	stream.linear.gather [hbm4b:s17+s3], $0x400, $0x38;
	[tilespmem:$0x19080] =	vst v63  }
0x26: {  	s17 =	smov.u32 s14;
	s16 =	smov.u32 s15;
	p1 =	sne.s32 s14, $0xC00  }
.Ltmp2:
0x27: {  	s14 =	sadd.s32 $0x80, s14;
	(pc) =	sbr.rel @p1 .LBB2_2-.Ltmp2, $2  }
0x28: {  	_ =	sdelay $0x2  }
0x29: {  	s15 =	sadd.s32 $0x800, s15;
	s17 =	sadd.s32 s17, s2  }
0x2a: {  	[tilespmem:s16], [sflag:$0x3] =	stream.linear.gather [hbm4b:s17+s3], $0x400, $0x38;
	[tilespmem:$0x19080] =	vst v63  }
0x2b: {  	_ =	swait.ge [sflag:s9], $0x6400  }
0x2c: {  	s14 =	simm.s32 $0xC800;
	s15 =	simm.s32 $0x80;
	[sflag:s9] =	ssyncset.done $0x0  }
0x2d: {  	s17 =	sadd.s32 $0x0, s2;
	s16 =	simm.s32 $0xD000;
	[sflag:s9] =	ssyncadd.s32 $0xFFFF9C00  }
.LBB2_4:
0x2e: {  	[tilespmem:s14], [sflag:$0x3] =	stream.linear.gather [hbm4b:s17+s3], $0x400, $0x38;
	[tilespmem:$0x19080] =	vst v63  }
0x2f: {  	s17 =	smov.u32 s15;
	s14 =	smov.u32 s16;
	p1 =	sne.s32 s15, $0xC00  }
.Ltmp3:
0x30: {  	s15 =	sadd.s32 $0x80, s15;
	(pc) =	sbr.rel @p1 .LBB2_4-.Ltmp3, $2  }
0x31: {  	_ =	sdelay $0x2  }
0x32: {  	s16 =	sadd.s32 $0x800, s16;
	s17 =	sadd.s32 s17, s2  }
0x33: {  	[tilespmem:s14], [sflag:$0x3] =	stream.linear.gather [hbm4b:s17+s3], $0x400, $0x38;
	[tilespmem:$0x19080] =	vst v63  }
0x34: {  	_ =	swait.ge [sflag:s9], $0x6400  }
0x35: {  	[sflag:s9] =	ssyncset.done $0x0  }
0x36: {  	s31 =	simm.s32 $0x0;
	[sflag:s9] =	ssyncadd.s32 $0xFFFF9C00  }
0x37: {  	[tilespmem:s10], [sflag:$0x3] =	stream.linear.gather [hbm4b:s4+s31], $0x80, $0x38;
	[tilespmem:$0x19080] =	vst v63  }
0x38: {  	_ =	swait.ge [sflag:s9], $0x80  }
0x39: {  	[sflag:s9] =	ssyncset.done $0x0  }
0x3a: {  	[sflag:s9] =	ssyncadd.s32 $0xFFFFFF80  }
0x3b: {  	v0 =	vld [tilespmem:$0x19000]  }
0x3c: {  	v1 =	vld [tilespmem:$0x19010]  }
0x3d: {  	v7 =	vld [tilespmem:$0x19070]  }
0x3e: {  	v2 =	vld [tilespmem:$0x19020]  }
0x3f: {  	v3 =	vld [tilespmem:$0x19030]  }
0x40: {  	s15 =	sand.u32 $0xF800, s31;
	s14 =	sand.u32 $0x380, s31;
	v4 =	vld [tilespmem:$0x19040]  }
0x41: {  	s14 =	sor.u32 s14, s15;
	v5 =	vld [tilespmem:$0x19050]  }
0x42: {  	v6 =	vld [tilespmem:$0x19060];
	[tilespmem:s14+$0x470] =	vst v7  }
0x43: {  	[tilespmem:s14+$0x400] =	vst v0  }
0x44: {  	[tilespmem:s14+$0x410] =	vst v1  }
0x45: {  	[tilespmem:s14+$0x420] =	vst v2  }
0x46: {  	[tilespmem:s14+$0x430] =	vst v3  }
0x47: {  	s16 =	simm.s32 $0x100;
	s15 =	simm.s32 $0x80;
	[tilespmem:s14+$0x440] =	vst v4  }
0x48: {  	s17 =	sand.u32 $0xF800, s16;
	s16 =	simm.s32 $0x200;
	s18 =	sand.u32 $0x380, s15;
	[tilespmem:s14+$0x450] =	vst v5  }
.LBB2_6:
0x49: {  	p1 =	sne.s32 s16, $0xC700;
	[tilespmem:s14+$0x460] =	vst v6;
	s14 =	sor.u32 s18, s17  }
0x4a: {  	[tilespmem:s14+$0x470] =	vst v7  }
0x4b: {  	[tilespmem:s14+$0x400] =	vst v0  }
.Ltmp4:
0x4c: {  	[tilespmem:s14+$0x410] =	vst v1;
	(pc) =	sbr.rel @p1 .LBB2_6-.Ltmp4, $4  }
0x4d: {  	[tilespmem:s14+$0x420] =	vst v2  }
0x4e: {  	[tilespmem:s14+$0x430] =	vst v3  }
0x4f: {  	s15 =	sadd.s32 $0x80, s15;
	[tilespmem:s14+$0x440] =	vst v4  }
0x50: {  	s17 =	sand.u32 $0xF800, s16;
	s16 =	sadd.s32 $0x100, s16;
	s18 =	sand.u32 $0x380, s15;
	[tilespmem:s14+$0x450] =	vst v5  }
0x51: {  	s15 =	sor.u32 s18, s17;
	[tilespmem:s14+$0x460] =	vst v6  }
0x52: {  	[tilespmem:s15+$0x470] =	vst v7  }
0x53: {  	[tilespmem:s15+$0x400] =	vst v0  }
0x54: {  	[tilespmem:s15+$0x410] =	vst v1  }
0x55: {  	[tilespmem:s15+$0x420] =	vst v2  }
.Ltmp5:
0x56: {  	[tilespmem:s15+$0x430] =	vst v3;
	(pc) =	sbr.rel @p0 .LBB2_11-.Ltmp5, $4  }
0x57: {  	[tilespmem:s15+$0x440] =	vst v4  }
0x58: {  	[tilespmem:s15+$0x450] =	vst v5  }
0x59: {  	s14 =	simm.s32 $0x1;
	[tilespmem:s15+$0x460] =	vst v6  }
0x5a: {  	[hbm4b:s5+s3] =	stream.linear.scatter [tilespmem:s3], [sflag:$0x1], $0xC800, $0x38;
	[tilespmem:$0x19080] =	vst v63  }
0x5b: {  	s14 =	simm.s32 $0x0  }
0x5c: {  	[tilespmem:s10], [sflag:$0x3] =	stream.linear.gather [hbm4b:s6+s14], $0x80, $0x38;
	[tilespmem:$0x19080] =	vst v63  }
0x5d: {  	_ =	swait.ge [sflag:s9], $0x80  }
0x5e: {  	[sflag:s9] =	ssyncset.done $0x0  }
0x5f: {  	[sflag:s9] =	ssyncadd.s32 $0xFFFFFF80  }
0x60: {  	v0 =	vld [tilespmem:$0x19000]  }
0x61: {  	v1 =	vld [tilespmem:$0x19010]  }
0x62: {  	v7 =	vld [tilespmem:$0x19070]  }
0x63: {  	v2 =	vld [tilespmem:$0x19020]  }
0x64: {  	v3 =	vld [tilespmem:$0x19030]  }
0x65: {  	s15 =	sand.u32 $0xF800, s14;
	s14 =	sand.u32 $0x380, s14;
	v4 =	vld [tilespmem:$0x19040]  }
0x66: {  	s14 =	sor.u32 s14, s15;
	v5 =	vld [tilespmem:$0x19050]  }
0x67: {  	v6 =	vld [tilespmem:$0x19060];
	[tilespmem:s14+$0xCC70] =	vst v7  }
0x68: {  	[tilespmem:s14+$0xCC00] =	vst v0  }
0x69: {  	[tilespmem:s14+$0xCC10] =	vst v1  }
0x6a: {  	[tilespmem:s14+$0xCC20] =	vst v2  }
0x6b: {  	[tilespmem:s14+$0xCC30] =	vst v3  }
0x6c: {  	s16 =	simm.s32 $0x100;
	s15 =	simm.s32 $0x80;
	[tilespmem:s14+$0xCC40] =	vst v4  }
0x6d: {  	s17 =	sand.u32 $0xF800, s16;
	s16 =	simm.s32 $0x200;
	s18 =	sand.u32 $0x380, s15;
	[tilespmem:s14+$0xCC50] =	vst v5  }
.LBB2_9:
0x6e: {  	p1 =	sne.s32 s16, $0xC700;
	[tilespmem:s14+$0xCC60] =	vst v6;
	s14 =	sor.u32 s18, s17  }
0x6f: {  	[tilespmem:s14+$0xCC70] =	vst v7  }
0x70: {  	[tilespmem:s14+$0xCC00] =	vst v0  }
.Ltmp6:
0x71: {  	[tilespmem:s14+$0xCC10] =	vst v1;
	(pc) =	sbr.rel @p1 .LBB2_9-.Ltmp6, $4  }
0x72: {  	[tilespmem:s14+$0xCC20] =	vst v2  }
0x73: {  	[tilespmem:s14+$0xCC30] =	vst v3  }
0x74: {  	s15 =	sadd.s32 $0x80, s15;
	[tilespmem:s14+$0xCC40] =	vst v4  }
0x75: {  	s17 =	sand.u32 $0xF800, s16;
	s16 =	sadd.s32 $0x100, s16;
	s18 =	sand.u32 $0x380, s15;
	[tilespmem:s14+$0xCC50] =	vst v5  }
.Ltmp7:
0x76: {  	_ = 	snop;
	(pc) =	sbr.rel .LBB2_10-.Ltmp7, $1  }
0x77: {  	_ =	sdelay $0x3  }
.LBB2_12:
0x78: {  	_ =	sfence.sel $0x180000  }
0x79: {  	[bflag:$0x0] =	sbarrier.arrive $0xFFFF  }
0x7a: {  	p0 =	sne.s32 s1, $0x0;
	_ =	strace $0x90000047  }
0x7b: {  	s0 =	sadd.s32 @!p0 $0x100000, s0;
	[bflag:$0x2] =	sbarrier.arrive $0xFFFF  }
0x7c: {  	[sflag:s0] =	ssyncadd.tile.s32 @!p0 $0x1;
	_ =	shalt  }
.Lfunc_end2:
_tile_overlayer_lowered:
.L_overlay_start_2:
0x7d: {  	(tag) =	ssettag $0x2  }
0x7e: {  	s0 =	rddreg [dreg:$0x0];
	s2 =	stileid.u32  }
0x7f: {  	s1 =	rddreg [dreg:$0x1];
	p0 =	sne.s32 s2, $0x0  }
0x80: {  	s3 =	rddreg [dreg:$0x2];
	[bflag:$0x3] =	sbarrier.arrive $0xFFFF;
	s2 =	simm.s32 @!p0 $0x1C03  }
0x81: {  	[timem:s3], [sflag:s2] =	dma.local @!p0 [hbm:s0], s1  }
0x82: {  	s0 =	simm.s32 @!p0 $0x3  }
0x83: {  	_ =	swait.ge @!p0 [sflag:s0], s1  }
0x84: {  	s1 =	ssub.s32 @!p0 $0x0, s1;
	[sflag:s0] =	ssyncset.done @!p0 $0x0  }
0x85: {  	[sflag:s0] =	ssyncadd.s32 @!p0 s1  }
0x86: {  	[bflag:$0x3] =	sbarrier.arrive $0xFFFF  }
0x87: {  	_ =	shalt  }

</sc_bundles>
